<compile_context>
chip_gen: v7x
topology: tpu7x:2x2x1
jax: 0.10.2.dev20260603
libtpu: 0.0.44.dev20260713+nightly
codegen_flags: <defaults>
</compile_context>

<pallas_src>
import functools

import jax
import jax.numpy as jnp
from jax import lax
from jax.experimental import pallas as pl
from jax.experimental.pallas import tpu as pltpu
from jax.experimental.pallas import tpu_sc as plsc

_NUM_CORES = 2
_NUM_SUBCORES = 16
_NUM_WORKERS = _NUM_CORES * _NUM_SUBCORES
_LANES = 16

_ROWS = 32768
_CH = 2048

_BLOCK_ROWS = 16
_BLOCK_ELEMS = _BLOCK_ROWS * _CH
_ROWS_PER_WORKER = _ROWS // _NUM_WORKERS
_BLOCKS_PER_WORKER = _ROWS_PER_WORKER // _BLOCK_ROWS
_CHUNKS = _CH // _LANES


def _permute_body(x_hbm, p_hbm, out_hbm, p_v, in_v, out_v, in_sem, out_sem):
  wid = lax.axis_index("s") * _NUM_CORES + lax.axis_index("c")
  base = wid * _ROWS_PER_WORKER * _CH

  pltpu.sync_copy(p_hbm, p_v)

  def block_body(b, carry):
    elem0 = base + b * _BLOCK_ELEMS
    pltpu.async_copy(
        x_hbm.at[pl.ds(elem0, _BLOCK_ELEMS)], in_v, in_sem
    ).wait()

    def chunk_body(j, carry2):
      col0 = j * _LANES
      idx = p_v[pl.ds(col0, _LANES)]
      for r in range(_BLOCK_ROWS):
        vals = plsc.load_gather(in_v, [idx + (r * _CH)])
        out_v[pl.ds(r * _CH + col0, _LANES)] = vals
      return carry2

    lax.fori_loop(0, _CHUNKS, chunk_body, 0, unroll=2)

    pltpu.async_copy(
        out_v, out_hbm.at[pl.ds(elem0, _BLOCK_ELEMS)], out_sem
    ).wait()
    return carry

  lax.fori_loop(0, _BLOCKS_PER_WORKER, block_body, 0)


@jax.jit
def _permute(x_flat, p32):
  mesh = plsc.VectorSubcoreMesh(
      core_axis_name="c", subcore_axis_name="s",
      num_cores=_NUM_CORES, num_subcores=_NUM_SUBCORES,
  )
  kern = pl.kernel(
      _permute_body,
      out_type=jax.ShapeDtypeStruct((_ROWS * _CH,), jnp.float32),
      mesh=mesh,
      compiler_params=pltpu.CompilerParams(needs_layout_passes=False),
      scratch_types=[
          pltpu.VMEM((_CH,), jnp.int32),
          pltpu.VMEM((_BLOCK_ELEMS,), jnp.float32),
          pltpu.VMEM((_BLOCK_ELEMS,), jnp.float32),
          pltpu.SemaphoreType.DMA,
          pltpu.SemaphoreType.DMA,
      ],
  )
  return kern(x_flat, p32)


def kernel(x, p):
  p32 = p.astype(jnp.int32)
  out = _permute(x.reshape(-1), p32)
  return (out.reshape(_ROWS, _CH), 0)

# --- scband reference (transcript-rebuilt; emitter-appended) ---
"""Pipeline reference for scband-permutation-51874615001668 (READ-ONLY COPY).

The authoritative reference and input builder live on the scoring server;
editing this copy changes nothing except your own understanding.
"""

import jax, jax.numpy as jnp
import numpy as np

IN_CH = 2048
N_ROWS = 32768

def setup_inputs(seed: int = 0) -> dict:
    key = jax.random.key(seed)
    kx, kp = jax.random.split(key)
    x = jax.random.normal(kx, (N_ROWS, IN_CH), dtype=jnp.float32)
    # module buffer: random permutation of channels (torch.randperm equivalent)
    p = jax.random.permutation(kp, IN_CH).astype(jnp.int64)
    return {"x": x, "p": p}

def reference(x, p):
    # faithful translation of Permutation.forward: out = x[:, self.p]; return (out, 0)
    out = jnp.take(x, p, axis=1)
    return (out, 0)

if __name__ == "__main__":
    import jax
    _d = setup_inputs()
    print(jax.jit(kernel)(*tuple(_d.values())))

</pallas_src>

<mosaic_0001>
#map = affine_map<(d0, d1) -> (0)>
module attributes {stable_mosaic.version = 14 : i64} {
  func.func @_permute_body(%arg0: i32, %arg1: i32, %arg2: memref<67108864xf32, #tpu.memory_space<hbm>>, %arg3: memref<2048xi32, #tpu.memory_space<hbm>>, %arg4: memref<67108864xf32, #tpu.memory_space<hbm>>, %arg5: memref<2048xi32, #tpu.memory_space<vmem>>, %arg6: memref<32768xf32, #tpu.memory_space<vmem>>, %arg7: memref<32768xf32, #tpu.memory_space<vmem>>, %arg8: memref<!tpu.dma_semaphore, #tpu.memory_space<semaphore_mem>>, %arg9: memref<!tpu.dma_semaphore, #tpu.memory_space<semaphore_mem>>) attributes {dimension_semantics = [#tpu.dimension_semantics<core_parallel>, #tpu.dimension_semantics<subcore_parallel>], iteration_bounds = array<i64: 2, 16>, scalar_prefetch = 0 : i64, scratch_operands = 5 : i64, tpu.core_type = #tpu.core_type<sc_vector_subcore>, window_params = [{transform_indices = #map}, {transform_indices = #map}, {transform_indices = #map}]} {
    %mul3A = arith.constant 2 : i32
    %mul3A_0 = arith.muli %arg1, %mul3A : i32
    %add3A = arith.addi %mul3A_0, %arg0 : i32
    %mul3A_1 = arith.constant 1024 : i32
    %mul3A_2 = arith.muli %add3A, %mul3A_1 : i32
    %mul3A_3 = arith.constant 2048 : i32
    %mul3A_4 = arith.muli %mul3A_2, %mul3A_3 : i32
    "tpu.region"() ({
      %run_scoped3A = tpu.sem_alloc : memref<!tpu.dma_semaphore, #tpu.memory_space<semaphore_mem>>
      tpu.enqueue_dma source(%arg3 : memref<2048xi32, #tpu.memory_space<hbm>>) target(%arg5 : memref<2048xi32, #tpu.memory_space<vmem>>) target_semaphore(%run_scoped3A : memref<!tpu.dma_semaphore, #tpu.memory_space<semaphore_mem>>)
      tpu.wait_dma2 semaphore(%run_scoped3A : memref<!tpu.dma_semaphore, #tpu.memory_space<semaphore_mem>>) src(%arg3 : memref<2048xi32, #tpu.memory_space<hbm>>) dst(%arg5 : memref<2048xi32, #tpu.memory_space<vmem>>)
      tpu.yield
    }) : () -> ()
    %scan3A = arith.constant 0 : i32
    %scan3A_5 = arith.constant 0 : i32
    %scan3A_6 = arith.constant 64 : i32
    %scan3A_7 = arith.addi %scan3A_5, %scan3A_6 : i32
    %scan3A_8 = arith.constant 1 : i32
    scf.for %scan3A_10 = %scan3A_5 to %scan3A_7 step %scan3A_8  : i32 {
      %mul3A_11 = arith.constant 32768 : i32
      %mul3A_12 = arith.muli %scan3A_10, %mul3A_11 : i32
      %add3A_13 = arith.addi %mul3A_4, %mul3A_12 : i32
      %dma_start3A = tpu.memref_slice %arg2[%add3A_13] : memref<67108864xf32, #tpu.memory_space<hbm>> -> memref<32768xf32, #tpu.memory_space<hbm>>
      %dma_start3A_14 = tpu.memref_slice %arg2[%add3A_13] : memref<67108864xf32, #tpu.memory_space<hbm>> -> memref<32768xf32, #tpu.memory_space<hbm>>
      tpu.enqueue_dma source(%dma_start3A_14 : memref<32768xf32, #tpu.memory_space<hbm>>) target(%arg6 : memref<32768xf32, #tpu.memory_space<vmem>>) target_semaphore(%arg8 : memref<!tpu.dma_semaphore, #tpu.memory_space<semaphore_mem>>)
      %dma_wait3A = tpu.memref_slice %arg2[%add3A_13] : memref<67108864xf32, #tpu.memory_space<hbm>> -> memref<32768xf32, #tpu.memory_space<hbm>>
      %dma_wait3A_15 = tpu.memref_slice %arg2[%add3A_13] : memref<67108864xf32, #tpu.memory_space<hbm>> -> memref<32768xf32, #tpu.memory_space<hbm>>
      tpu.wait_dma2 semaphore(%arg8 : memref<!tpu.dma_semaphore, #tpu.memory_space<semaphore_mem>>) src(%dma_wait3A_15 : memref<32768xf32, #tpu.memory_space<hbm>>) dst(%arg6 : memref<32768xf32, #tpu.memory_space<vmem>>)
      %scan3A_16 = arith.constant 0 : i32
      %scan3A_17 = arith.constant 0 : i32
      %scan3A_18 = arith.constant 128 : i32
      %scan3A_19 = arith.addi %scan3A_17, %scan3A_18 : i32
      %scan3A_20 = arith.constant 2 : i32
      scf.for %scan3A_26 = %scan3A_17 to %scan3A_19 step %scan3A_20  : i32 {
        %mul3A_27 = arith.constant 16 : i32
        %mul3A_28 = arith.muli %scan3A_26, %mul3A_27 : i32
        %get3A = arith.index_cast %mul3A_28 : i32 to index
        %get3A_29 = tpu.vector_load %arg5[%get3A] {strides = array<i32>} : memref<2048xi32, #tpu.memory_space<vmem>>, vector<16xi32>,
        %add3A_30 = arith.constant 0 : i32
        %add3A_31 = vector.broadcast %add3A_30 : i32 to vector<16xi32>
        %add3A_32 = arith.addi %get3A_29, %add3A_31 : vector<16xi32>
        %gather3A = tpu.vector_load_idx %arg6[%add3A_32] : memref<32768xf32, #tpu.memory_space<vmem>>[vector<16xi32>], vector<16xf32>,
        %add3A_33 = arith.constant 0 : i32
        %add3A_34 = arith.addi %add3A_33, %mul3A_28 : i32
        %swap3A = arith.index_cast %add3A_34 : i32 to index
        %swap3A_35 = tpu.vector_load %arg7[%swap3A] {strides = array<i32>} : memref<32768xf32, #tpu.memory_space<vmem>>, vector<16xf32>,
        tpu.vector_store %arg7[%swap3A], %gather3A {strides = array<i32>} : memref<32768xf32, #tpu.memory_space<vmem>>, vector<16xf32>,
        %add3A_36 = arith.constant 2048 : i32
        %add3A_37 = vector.broadcast %add3A_36 : i32 to vector<16xi32>
        %add3A_38 = arith.addi %get3A_29, %add3A_37 : vector<16xi32>
        %gather3A_39 = tpu.vector_load_idx %arg6[%add3A_38] : memref<32768xf32, #tpu.memory_space<vmem>>[vector<16xi32>], vector<16xf32>,
        %add3A_40 = arith.constant 2048 : i32
        %add3A_41 = arith.addi %add3A_40, %mul3A_28 : i32
        %swap3A_42 = arith.index_cast %add3A_41 : i32 to index
        %swap3A_43 = tpu.vector_load %arg7[%swap3A_42] {strides = array<i32>} : memref<32768xf32, #tpu.memory_space<vmem>>, vector<16xf32>,
        tpu.vector_store %arg7[%swap3A_42], %gather3A_39 {strides = array<i32>} : memref<32768xf32, #tpu.memory_space<vmem>>, vector<16xf32>,
        %add3A_44 = arith.constant 4096 : i32
        %add3A_45 = vector.broadcast %add3A_44 : i32 to vector<16xi32>
        %add3A_46 = arith.addi %get3A_29, %add3A_45 : vector<16xi32>
        %gather3A_47 = tpu.vector_load_idx %arg6[%add3A_46] : memref<32768xf32, #tpu.memory_space<vmem>>[vector<16xi32>], vector<16xf32>,
        %add3A_48 = arith.constant 4096 : i32
        %add3A_49 = arith.addi %add3A_48, %mul3A_28 : i32
        %swap3A_50 = arith.index_cast %add3A_49 : i32 to index
        %swap3A_51 = tpu.vector_load %arg7[%swap3A_50] {strides = array<i32>} : memref<32768xf32, #tpu.memory_space<vmem>>, vector<16xf32>,
        tpu.vector_store %arg7[%swap3A_50], %gather3A_47 {strides = array<i32>} : memref<32768xf32, #tpu.memory_space<vmem>>, vector<16xf32>,
        %add3A_52 = arith.constant 6144 : i32
        %add3A_53 = vector.broadcast %add3A_52 : i32 to vector<16xi32>
        %add3A_54 = arith.addi %get3A_29, %add3A_53 : vector<16xi32>
        %gather3A_55 = tpu.vector_load_idx %arg6[%add3A_54] : memref<32768xf32, #tpu.memory_space<vmem>>[vector<16xi32>], vector<16xf32>,
        %add3A_56 = arith.constant 6144 : i32
        %add3A_57 = arith.addi %add3A_56, %mul3A_28 : i32
        %swap3A_58 = arith.index_cast %add3A_57 : i32 to index
        %swap3A_59 = tpu.vector_load %arg7[%swap3A_58] {strides = array<i32>} : memref<32768xf32, #tpu.memory_space<vmem>>, vector<16xf32>,
        tpu.vector_store %arg7[%swap3A_58], %gather3A_55 {strides = array<i32>} : memref<32768xf32, #tpu.memory_space<vmem>>, vector<16xf32>,
        %add3A_60 = arith.constant 8192 : i32
        %add3A_61 = vector.broadcast %add3A_60 : i32 to vector<16xi32>
        %add3A_62 = arith.addi %get3A_29, %add3A_61 : vector<16xi32>
        %gather3A_63 = tpu.vector_load_idx %arg6[%add3A_62] : memref<32768xf32, #tpu.memory_space<vmem>>[vector<16xi32>], vector<16xf32>,
        %add3A_64 = arith.constant 8192 : i32
        %add3A_65 = arith.addi %add3A_64, %mul3A_28 : i32
        %swap3A_66 = arith.index_cast %add3A_65 : i32 to index
        %swap3A_67 = tpu.vector_load %arg7[%swap3A_66] {strides = array<i32>} : memref<32768xf32, #tpu.memory_space<vmem>>, vector<16xf32>,
        tpu.vector_store %arg7[%swap3A_66], %gather3A_63 {strides = array<i32>} : memref<32768xf32, #tpu.memory_space<vmem>>, vector<16xf32>,
        %add3A_68 = arith.constant 10240 : i32
        %add3A_69 = vector.broadcast %add3A_68 : i32 to vector<16xi32>
        %add3A_70 = arith.addi %get3A_29, %add3A_69 : vector<16xi32>
        %gather3A_71 = tpu.vector_load_idx %arg6[%add3A_70] : memref<32768xf32, #tpu.memory_space<vmem>>[vector<16xi32>], vector<16xf32>,
        %add3A_72 = arith.constant 10240 : i32
        %add3A_73 = arith.addi %add3A_72, %mul3A_28 : i32
        %swap3A_74 = arith.index_cast %add3A_73 : i32 to index
        %swap3A_75 = tpu.vector_load %arg7[%swap3A_74] {strides = array<i32>} : memref<32768xf32, #tpu.memory_space<vmem>>, vector<16xf32>,
        tpu.vector_store %arg7[%swap3A_74], %gather3A_71 {strides = array<i32>} : memref<32768xf32, #tpu.memory_space<vmem>>, vector<16xf32>,
        %add3A_76 = arith.constant 12288 : i32
        %add3A_77 = vector.broadcast %add3A_76 : i32 to vector<16xi32>
        %add3A_78 = arith.addi %get3A_29, %add3A_77 : vector<16xi32>
        %gather3A_79 = tpu.vector_load_idx %arg6[%add3A_78] : memref<32768xf32, #tpu.memory_space<vmem>>[vector<16xi32>], vector<16xf32>,
        %add3A_80 = arith.constant 12288 : i32
        %add3A_81 = arith.addi %add3A_80, %mul3A_28 : i32
        %swap3A_82 = arith.index_cast %add3A_81 : i32 to index
        %swap3A_83 = tpu.vector_load %arg7[%swap3A_82] {strides = array<i32>} : memref<32768xf32, #tpu.memory_space<vmem>>, vector<16xf32>,
        tpu.vector_store %arg7[%swap3A_82], %gather3A_79 {strides = array<i32>} : memref<32768xf32, #tpu.memory_space<vmem>>, vector<16xf32>,
        %add3A_84 = arith.constant 14336 : i32
        %add3A_85 = vector.broadcast %add3A_84 : i32 to vector<16xi32>
        %add3A_86 = arith.addi %get3A_29, %add3A_85 : vector<16xi32>
        %gather3A_87 = tpu.vector_load_idx %arg6[%add3A_86] : memref<32768xf32, #tpu.memory_space<vmem>>[vector<16xi32>], vector<16xf32>,
        %add3A_88 = arith.constant 14336 : i32
        %add3A_89 = arith.addi %add3A_88, %mul3A_28 : i32
        %swap3A_90 = arith.index_cast %add3A_89 : i32 to index
        %swap3A_91 = tpu.vector_load %arg7[%swap3A_90] {strides = array<i32>} : memref<32768xf32, #tpu.memory_space<vmem>>, vector<16xf32>,
        tpu.vector_store %arg7[%swap3A_90], %gather3A_87 {strides = array<i32>} : memref<32768xf32, #tpu.memory_space<vmem>>, vector<16xf32>,
        %add3A_92 = arith.constant 16384 : i32
        %add3A_93 = vector.broadcast %add3A_92 : i32 to vector<16xi32>
        %add3A_94 = arith.addi %get3A_29, %add3A_93 : vector<16xi32>
        %gather3A_95 = tpu.vector_load_idx %arg6[%add3A_94] : memref<32768xf32, #tpu.memory_space<vmem>>[vector<16xi32>], vector<16xf32>,
        %add3A_96 = arith.constant 16384 : i32
        %add3A_97 = arith.addi %add3A_96, %mul3A_28 : i32
        %swap3A_98 = arith.index_cast %add3A_97 : i32 to index
        %swap3A_99 = tpu.vector_load %arg7[%swap3A_98] {strides = array<i32>} : memref<32768xf32, #tpu.memory_space<vmem>>, vector<16xf32>,
        tpu.vector_store %arg7[%swap3A_98], %gather3A_95 {strides = array<i32>} : memref<32768xf32, #tpu.memory_space<vmem>>, vector<16xf32>,
        %add3A_100 = arith.constant 18432 : i32
        %add3A_101 = vector.broadcast %add3A_100 : i32 to vector<16xi32>
        %add3A_102 = arith.addi %get3A_29, %add3A_101 : vector<16xi32>
        %gather3A_103 = tpu.vector_load_idx %arg6[%add3A_102] : memref<32768xf32, #tpu.memory_space<vmem>>[vector<16xi32>], vector<16xf32>,
        %add3A_104 = arith.constant 18432 : i32
        %add3A_105 = arith.addi %add3A_104, %mul3A_28 : i32
        %swap3A_106 = arith.index_cast %add3A_105 : i32 to index
        %swap3A_107 = tpu.vector_load %arg7[%swap3A_106] {strides = array<i32>} : memref<32768xf32, #tpu.memory_space<vmem>>, vector<16xf32>,
        tpu.vector_store %arg7[%swap3A_106], %gather3A_103 {strides = array<i32>} : memref<32768xf32, #tpu.memory_space<vmem>>, vector<16xf32>,
        %add3A_108 = arith.constant 20480 : i32
        %add3A_109 = vector.broadcast %add3A_108 : i32 to vector<16xi32>
        %add3A_110 = arith.addi %get3A_29, %add3A_109 : vector<16xi32>
        %gather3A_111 = tpu.vector_load_idx %arg6[%add3A_110] : memref<32768xf32, #tpu.memory_space<vmem>>[vector<16xi32>], vector<16xf32>,
        %add3A_112 = arith.constant 20480 : i32
        %add3A_113 = arith.addi %add3A_112, %mul3A_28 : i32
        %swap3A_114 = arith.index_cast %add3A_113 : i32 to index
        %swap3A_115 = tpu.vector_load %arg7[%swap3A_114] {strides = array<i32>} : memref<32768xf32, #tpu.memory_space<vmem>>, vector<16xf32>,
        tpu.vector_store %arg7[%swap3A_114], %gather3A_111 {strides = array<i32>} : memref<32768xf32, #tpu.memory_space<vmem>>, vector<16xf32>,
        %add3A_116 = arith.constant 22528 : i32
        %add3A_117 = vector.broadcast %add3A_116 : i32 to vector<16xi32>
        %add3A_118 = arith.addi %get3A_29, %add3A_117 : vector<16xi32>
        %gather3A_119 = tpu.vector_load_idx %arg6[%add3A_118] : memref<32768xf32, #tpu.memory_space<vmem>>[vector<16xi32>], vector<16xf32>,
        %add3A_120 = arith.constant 22528 : i32
        %add3A_121 = arith.addi %add3A_120, %mul3A_28 : i32
        %swap3A_122 = arith.index_cast %add3A_121 : i32 to index
        %swap3A_123 = tpu.vector_load %arg7[%swap3A_122] {strides = array<i32>} : memref<32768xf32, #tpu.memory_space<vmem>>, vector<16xf32>,
        tpu.vector_store %arg7[%swap3A_122], %gather3A_119 {strides = array<i32>} : memref<32768xf32, #tpu.memory_space<vmem>>, vector<16xf32>,
        %add3A_124 = arith.constant 24576 : i32
        %add3A_125 = vector.broadcast %add3A_124 : i32 to vector<16xi32>
        %add3A_126 = arith.addi %get3A_29, %add3A_125 : vector<16xi32>
        %gather3A_127 = tpu.vector_load_idx %arg6[%add3A_126] : memref<32768xf32, #tpu.memory_space<vmem>>[vector<16xi32>], vector<16xf32>,
        %add3A_128 = arith.constant 24576 : i32
        %add3A_129 = arith.addi %add3A_128, %mul3A_28 : i32
        %swap3A_130 = arith.index_cast %add3A_129 : i32 to index
        %swap3A_131 = tpu.vector_load %arg7[%swap3A_130] {strides = array<i32>} : memref<32768xf32, #tpu.memory_space<vmem>>, vector<16xf32>,
        tpu.vector_store %arg7[%swap3A_130], %gather3A_127 {strides = array<i32>} : memref<32768xf32, #tpu.memory_space<vmem>>, vector<16xf32>,
        %add3A_132 = arith.constant 26624 : i32
        %add3A_133 = vector.broadcast %add3A_132 : i32 to vector<16xi32>
        %add3A_134 = arith.addi %get3A_29, %add3A_133 : vector<16xi32>
        %gather3A_135 = tpu.vector_load_idx %arg6[%add3A_134] : memref<32768xf32, #tpu.memory_space<vmem>>[vector<16xi32>], vector<16xf32>,
        %add3A_136 = arith.constant 26624 : i32
        %add3A_137 = arith.addi %add3A_136, %mul3A_28 : i32
        %swap3A_138 = arith.index_cast %add3A_137 : i32 to index
        %swap3A_139 = tpu.vector_load %arg7[%swap3A_138] {strides = array<i32>} : memref<32768xf32, #tpu.memory_space<vmem>>, vector<16xf32>,
        tpu.vector_store %arg7[%swap3A_138], %gather3A_135 {strides = array<i32>} : memref<32768xf32, #tpu.memory_space<vmem>>, vector<16xf32>,
        %add3A_140 = arith.constant 28672 : i32
        %add3A_141 = vector.broadcast %add3A_140 : i32 to vector<16xi32>
        %add3A_142 = arith.addi %get3A_29, %add3A_141 : vector<16xi32>
        %gather3A_143 = tpu.vector_load_idx %arg6[%add3A_142] : memref<32768xf32, #tpu.memory_space<vmem>>[vector<16xi32>], vector<16xf32>,
        %add3A_144 = arith.constant 28672 : i32
        %add3A_145 = arith.addi %add3A_144, %mul3A_28 : i32
        %swap3A_146 = arith.index_cast %add3A_145 : i32 to index
        %swap3A_147 = tpu.vector_load %arg7[%swap3A_146] {strides = array<i32>} : memref<32768xf32, #tpu.memory_space<vmem>>, vector<16xf32>,
        tpu.vector_store %arg7[%swap3A_146], %gather3A_143 {strides = array<i32>} : memref<32768xf32, #tpu.memory_space<vmem>>, vector<16xf32>,
        %add3A_148 = arith.constant 30720 : i32
        %add3A_149 = vector.broadcast %add3A_148 : i32 to vector<16xi32>
        %add3A_150 = arith.addi %get3A_29, %add3A_149 : vector<16xi32>
        %gather3A_151 = tpu.vector_load_idx %arg6[%add3A_150] : memref<32768xf32, #tpu.memory_space<vmem>>[vector<16xi32>], vector<16xf32>,
        %add3A_152 = arith.constant 30720 : i32
        %add3A_153 = arith.addi %add3A_152, %mul3A_28 : i32
        %swap3A_154 = arith.index_cast %add3A_153 : i32 to index
        %swap3A_155 = tpu.vector_load %arg7[%swap3A_154] {strides = array<i32>} : memref<32768xf32, #tpu.memory_space<vmem>>, vector<16xf32>,
        tpu.vector_store %arg7[%swap3A_154], %gather3A_151 {strides = array<i32>} : memref<32768xf32, #tpu.memory_space<vmem>>, vector<16xf32>,
        %scan3A_156 = arith.constant 1 : i32
        %scan3A_157 = arith.addi %scan3A_26, %scan3A_156 : i32
        %mul3A_158 = arith.constant 16 : i32
        %mul3A_159 = arith.muli %scan3A_157, %mul3A_158 : i32
        %get3A_160 = arith.index_cast %mul3A_159 : i32 to index
        %get3A_161 = tpu.vector_load %arg5[%get3A_160] {strides = array<i32>} : memref<2048xi32, #tpu.memory_space<vmem>>, vector<16xi32>,
        %add3A_162 = arith.constant 0 : i32
        %add3A_163 = vector.broadcast %add3A_162 : i32 to vector<16xi32>
        %add3A_164 = arith.addi %get3A_161, %add3A_163 : vector<16xi32>
        %gather3A_165 = tpu.vector_load_idx %arg6[%add3A_164] : memref<32768xf32, #tpu.memory_space<vmem>>[vector<16xi32>], vector<16xf32>,
        %add3A_166 = arith.constant 0 : i32
        %add3A_167 = arith.addi %add3A_166, %mul3A_159 : i32
        %swap3A_168 = arith.index_cast %add3A_167 : i32 to index
        %swap3A_169 = tpu.vector_load %arg7[%swap3A_168] {strides = array<i32>} : memref<32768xf32, #tpu.memory_space<vmem>>, vector<16xf32>,
        tpu.vector_store %arg7[%swap3A_168], %gather3A_165 {strides = array<i32>} : memref<32768xf32, #tpu.memory_space<vmem>>, vector<16xf32>,
        %add3A_170 = arith.constant 2048 : i32
        %add3A_171 = vector.broadcast %add3A_170 : i32 to vector<16xi32>
        %add3A_172 = arith.addi %get3A_161, %add3A_171 : vector<16xi32>
        %gather3A_173 = tpu.vector_load_idx %arg6[%add3A_172] : memref<32768xf32, #tpu.memory_space<vmem>>[vector<16xi32>], vector<16xf32>,
        %add3A_174 = arith.constant 2048 : i32
        %add3A_175 = arith.addi %add3A_174, %mul3A_159 : i32
        %swap3A_176 = arith.index_cast %add3A_175 : i32 to index
        %swap3A_177 = tpu.vector_load %arg7[%swap3A_176] {strides = array<i32>} : memref<32768xf32, #tpu.memory_space<vmem>>, vector<16xf32>,
        tpu.vector_store %arg7[%swap3A_176], %gather3A_173 {strides = array<i32>} : memref<32768xf32, #tpu.memory_space<vmem>>, vector<16xf32>,
        %add3A_178 = arith.constant 4096 : i32
        %add3A_179 = vector.broadcast %add3A_178 : i32 to vector<16xi32>
        %add3A_180 = arith.addi %get3A_161, %add3A_179 : vector<16xi32>
        %gather3A_181 = tpu.vector_load_idx %arg6[%add3A_180] : memref<32768xf32, #tpu.memory_space<vmem>>[vector<16xi32>], vector<16xf32>,
        %add3A_182 = arith.constant 4096 : i32
        %add3A_183 = arith.addi %add3A_182, %mul3A_159 : i32
        %swap3A_184 = arith.index_cast %add3A_183 : i32 to index
        %swap3A_185 = tpu.vector_load %arg7[%swap3A_184] {strides = array<i32>} : memref<32768xf32, #tpu.memory_space<vmem>>, vector<16xf32>,
        tpu.vector_store %arg7[%swap3A_184], %gather3A_181 {strides = array<i32>} : memref<32768xf32, #tpu.memory_space<vmem>>, vector<16xf32>,
        %add3A_186 = arith.constant 6144 : i32
        %add3A_187 = vector.broadcast %add3A_186 : i32 to vector<16xi32>
        %add3A_188 = arith.addi %get3A_161, %add3A_187 : vector<16xi32>
        %gather3A_189 = tpu.vector_load_idx %arg6[%add3A_188] : memref<32768xf32, #tpu.memory_space<vmem>>[vector<16xi32>], vector<16xf32>,
        %add3A_190 = arith.constant 6144 : i32
        %add3A_191 = arith.addi %add3A_190, %mul3A_159 : i32
        %swap3A_192 = arith.index_cast %add3A_191 : i32 to index
        %swap3A_193 = tpu.vector_load %arg7[%swap3A_192] {strides = array<i32>} : memref<32768xf32, #tpu.memory_space<vmem>>, vector<16xf32>,
        tpu.vector_store %arg7[%swap3A_192], %gather3A_189 {strides = array<i32>} : memref<32768xf32, #tpu.memory_space<vmem>>, vector<16xf32>,
        %add3A_194 = arith.constant 8192 : i32
        %add3A_195 = vector.broadcast %add3A_194 : i32 to vector<16xi32>
        %add3A_196 = arith.addi %get3A_161, %add3A_195 : vector<16xi32>
        %gather3A_197 = tpu.vector_load_idx %arg6[%add3A_196] : memref<32768xf32, #tpu.memory_space<vmem>>[vector<16xi32>], vector<16xf32>,
        %add3A_198 = arith.constant 8192 : i32
        %add3A_199 = arith.addi %add3A_198, %mul3A_159 : i32
        %swap3A_200 = arith.index_cast %add3A_199 : i32 to index
        %swap3A_201 = tpu.vector_load %arg7[%swap3A_200] {strides = array<i32>} : memref<32768xf32, #tpu.memory_space<vmem>>, vector<16xf32>,
        tpu.vector_store %arg7[%swap3A_200], %gather3A_197 {strides = array<i32>} : memref<32768xf32, #tpu.memory_space<vmem>>, vector<16xf32>,
        %add3A_202 = arith.constant 10240 : i32
        %add3A_203 = vector.broadcast %add3A_202 : i32 to vector<16xi32>
        %add3A_204 = arith.addi %get3A_161, %add3A_203 : vector<16xi32>
        %gather3A_205 = tpu.vector_load_idx %arg6[%add3A_204] : memref<32768xf32, #tpu.memory_space<vmem>>[vector<16xi32>], vector<16xf32>,
        %add3A_206 = arith.constant 10240 : i32
        %add3A_207 = arith.addi %add3A_206, %mul3A_159 : i32
        %swap3A_208 = arith.index_cast %add3A_207 : i32 to index
        %swap3A_209 = tpu.vector_load %arg7[%swap3A_208] {strides = array<i32>} : memref<32768xf32, #tpu.memory_space<vmem>>, vector<16xf32>,
        tpu.vector_store %arg7[%swap3A_208], %gather3A_205 {strides = array<i32>} : memref<32768xf32, #tpu.memory_space<vmem>>, vector<16xf32>,
        %add3A_210 = arith.constant 12288 : i32
        %add3A_211 = vector.broadcast %add3A_210 : i32 to vector<16xi32>
        %add3A_212 = arith.addi %get3A_161, %add3A_211 : vector<16xi32>
        %gather3A_213 = tpu.vector_load_idx %arg6[%add3A_212] : memref<32768xf32, #tpu.memory_space<vmem>>[vector<16xi32>], vector<16xf32>,
        %add3A_214 = arith.constant 12288 : i32
        %add3A_215 = arith.addi %add3A_214, %mul3A_159 : i32
        %swap3A_216 = arith.index_cast %add3A_215 : i32 to index
        %swap3A_217 = tpu.vector_load %arg7[%swap3A_216] {strides = array<i32>} : memref<32768xf32, #tpu.memory_space<vmem>>, vector<16xf32>,
        tpu.vector_store %arg7[%swap3A_216], %gather3A_213 {strides = array<i32>} : memref<32768xf32, #tpu.memory_space<vmem>>, vector<16xf32>,
        %add3A_218 = arith.constant 14336 : i32
        %add3A_219 = vector.broadcast %add3A_218 : i32 to vector<16xi32>
        %add3A_220 = arith.addi %get3A_161, %add3A_219 : vector<16xi32>
        %gather3A_221 = tpu.vector_load_idx %arg6[%add3A_220] : memref<32768xf32, #tpu.memory_space<vmem>>[vector<16xi32>], vector<16xf32>,
        %add3A_222 = arith.constant 14336 : i32
        %add3A_223 = arith.addi %add3A_222, %mul3A_159 : i32
        %swap3A_224 = arith.index_cast %add3A_223 : i32 to index
        %swap3A_225 = tpu.vector_load %arg7[%swap3A_224] {strides = array<i32>} : memref<32768xf32, #tpu.memory_space<vmem>>, vector<16xf32>,
        tpu.vector_store %arg7[%swap3A_224], %gather3A_221 {strides = array<i32>} : memref<32768xf32, #tpu.memory_space<vmem>>, vector<16xf32>,
        %add3A_226 = arith.constant 16384 : i32
        %add3A_227 = vector.broadcast %add3A_226 : i32 to vector<16xi32>
        %add3A_228 = arith.addi %get3A_161, %add3A_227 : vector<16xi32>
        %gather3A_229 = tpu.vector_load_idx %arg6[%add3A_228] : memref<32768xf32, #tpu.memory_space<vmem>>[vector<16xi32>], vector<16xf32>,
        %add3A_230 = arith.constant 16384 : i32
        %add3A_231 = arith.addi %add3A_230, %mul3A_159 : i32
        %swap3A_232 = arith.index_cast %add3A_231 : i32 to index
        %swap3A_233 = tpu.vector_load %arg7[%swap3A_232] {strides = array<i32>} : memref<32768xf32, #tpu.memory_space<vmem>>, vector<16xf32>,
        tpu.vector_store %arg7[%swap3A_232], %gather3A_229 {strides = array<i32>} : memref<32768xf32, #tpu.memory_space<vmem>>, vector<16xf32>,
        %add3A_234 = arith.constant 18432 : i32
        %add3A_235 = vector.broadcast %add3A_234 : i32 to vector<16xi32>
        %add3A_236 = arith.addi %get3A_161, %add3A_235 : vector<16xi32>
        %gather3A_237 = tpu.vector_load_idx %arg6[%add3A_236] : memref<32768xf32, #tpu.memory_space<vmem>>[vector<16xi32>], vector<16xf32>,
        %add3A_238 = arith.constant 18432 : i32
        %add3A_239 = arith.addi %add3A_238, %mul3A_159 : i32
        %swap3A_240 = arith.index_cast %add3A_239 : i32 to index
        %swap3A_241 = tpu.vector_load %arg7[%swap3A_240] {strides = array<i32>} : memref<32768xf32, #tpu.memory_space<vmem>>, vector<16xf32>,
        tpu.vector_store %arg7[%swap3A_240], %gather3A_237 {strides = array<i32>} : memref<32768xf32, #tpu.memory_space<vmem>>, vector<16xf32>,
        %add3A_242 = arith.constant 20480 : i32
        %add3A_243 = vector.broadcast %add3A_242 : i32 to vector<16xi32>
        %add3A_244 = arith.addi %get3A_161, %add3A_243 : vector<16xi32>
        %gather3A_245 = tpu.vector_load_idx %arg6[%add3A_244] : memref<32768xf32, #tpu.memory_space<vmem>>[vector<16xi32>], vector<16xf32>,
        %add3A_246 = arith.constant 20480 : i32
        %add3A_247 = arith.addi %add3A_246, %mul3A_159 : i32
        %swap3A_248 = arith.index_cast %add3A_247 : i32 to index
        %swap3A_249 = tpu.vector_load %arg7[%swap3A_248] {strides = array<i32>} : memref<32768xf32, #tpu.memory_space<vmem>>, vector<16xf32>,
        tpu.vector_store %arg7[%swap3A_248], %gather3A_245 {strides = array<i32>} : memref<32768xf32, #tpu.memory_space<vmem>>, vector<16xf32>,
        %add3A_250 = arith.constant 22528 : i32
        %add3A_251 = vector.broadcast %add3A_250 : i32 to vector<16xi32>
        %add3A_252 = arith.addi %get3A_161, %add3A_251 : vector<16xi32>
        %gather3A_253 = tpu.vector_load_idx %arg6[%add3A_252] : memref<32768xf32, #tpu.memory_space<vmem>>[vector<16xi32>], vector<16xf32>,
        %add3A_254 = arith.constant 22528 : i32
        %add3A_255 = arith.addi %add3A_254, %mul3A_159 : i32
        %swap3A_256 = arith.index_cast %add3A_255 : i32 to index
        %swap3A_257 = tpu.vector_load %arg7[%swap3A_256] {strides = array<i32>} : memref<32768xf32, #tpu.memory_space<vmem>>, vector<16xf32>,
        tpu.vector_store %arg7[%swap3A_256], %gather3A_253 {strides = array<i32>} : memref<32768xf32, #tpu.memory_space<vmem>>, vector<16xf32>,
        %add3A_258 = arith.constant 24576 : i32
        %add3A_259 = vector.broadcast %add3A_258 : i32 to vector<16xi32>
        %add3A_260 = arith.addi %get3A_161, %add3A_259 : vector<16xi32>
        %gather3A_261 = tpu.vector_load_idx %arg6[%add3A_260] : memref<32768xf32, #tpu.memory_space<vmem>>[vector<16xi32>], vector<16xf32>,
        %add3A_262 = arith.constant 24576 : i32
        %add3A_263 = arith.addi %add3A_262, %mul3A_159 : i32
        %swap3A_264 = arith.index_cast %add3A_263 : i32 to index
        %swap3A_265 = tpu.vector_load %arg7[%swap3A_264] {strides = array<i32>} : memref<32768xf32, #tpu.memory_space<vmem>>, vector<16xf32>,
        tpu.vector_store %arg7[%swap3A_264], %gather3A_261 {strides = array<i32>} : memref<32768xf32, #tpu.memory_space<vmem>>, vector<16xf32>,
        %add3A_266 = arith.constant 26624 : i32
        %add3A_267 = vector.broadcast %add3A_266 : i32 to vector<16xi32>
        %add3A_268 = arith.addi %get3A_161, %add3A_267 : vector<16xi32>
        %gather3A_269 = tpu.vector_load_idx %arg6[%add3A_268] : memref<32768xf32, #tpu.memory_space<vmem>>[vector<16xi32>], vector<16xf32>,
        %add3A_270 = arith.constant 26624 : i32
        %add3A_271 = arith.addi %add3A_270, %mul3A_159 : i32
        %swap3A_272 = arith.index_cast %add3A_271 : i32 to index
        %swap3A_273 = tpu.vector_load %arg7[%swap3A_272] {strides = array<i32>} : memref<32768xf32, #tpu.memory_space<vmem>>, vector<16xf32>,
        tpu.vector_store %arg7[%swap3A_272], %gather3A_269 {strides = array<i32>} : memref<32768xf32, #tpu.memory_space<vmem>>, vector<16xf32>,
        %add3A_274 = arith.constant 28672 : i32
        %add3A_275 = vector.broadcast %add3A_274 : i32 to vector<16xi32>
        %add3A_276 = arith.addi %get3A_161, %add3A_275 : vector<16xi32>
        %gather3A_277 = tpu.vector_load_idx %arg6[%add3A_276] : memref<32768xf32, #tpu.memory_space<vmem>>[vector<16xi32>], vector<16xf32>,
        %add3A_278 = arith.constant 28672 : i32
        %add3A_279 = arith.addi %add3A_278, %mul3A_159 : i32
        %swap3A_280 = arith.index_cast %add3A_279 : i32 to index
        %swap3A_281 = tpu.vector_load %arg7[%swap3A_280] {strides = array<i32>} : memref<32768xf32, #tpu.memory_space<vmem>>, vector<16xf32>,
        tpu.vector_store %arg7[%swap3A_280], %gather3A_277 {strides = array<i32>} : memref<32768xf32, #tpu.memory_space<vmem>>, vector<16xf32>,
        %add3A_282 = arith.constant 30720 : i32
        %add3A_283 = vector.broadcast %add3A_282 : i32 to vector<16xi32>
        %add3A_284 = arith.addi %get3A_161, %add3A_283 : vector<16xi32>
        %gather3A_285 = tpu.vector_load_idx %arg6[%add3A_284] : memref<32768xf32, #tpu.memory_space<vmem>>[vector<16xi32>], vector<16xf32>,
        %add3A_286 = arith.constant 30720 : i32
        %add3A_287 = arith.addi %add3A_286, %mul3A_159 : i32
        %swap3A_288 = arith.index_cast %add3A_287 : i32 to index
        %swap3A_289 = tpu.vector_load %arg7[%swap3A_288] {strides = array<i32>} : memref<32768xf32, #tpu.memory_space<vmem>>, vector<16xf32>,
        tpu.vector_store %arg7[%swap3A_288], %gather3A_285 {strides = array<i32>} : memref<32768xf32, #tpu.memory_space<vmem>>, vector<16xf32>,
      }
      %scan3A_21 = arith.constant 128 : i32
      %dma_start3A_22 = tpu.memref_slice %arg4[%add3A_13] : memref<67108864xf32, #tpu.memory_space<hbm>> -> memref<32768xf32, #tpu.memory_space<hbm>>
      %dma_start3A_23 = tpu.memref_slice %arg4[%add3A_13] : memref<67108864xf32, #tpu.memory_space<hbm>> -> memref<32768xf32, #tpu.memory_space<hbm>>
      tpu.enqueue_dma source(%arg7 : memref<32768xf32, #tpu.memory_space<vmem>>) target(%dma_start3A_23 : memref<32768xf32, #tpu.memory_space<hbm>>) target_semaphore(%arg9 : memref<!tpu.dma_semaphore, #tpu.memory_space<semaphore_mem>>)
      %dma_wait3A_24 = tpu.memref_slice %arg4[%add3A_13] : memref<67108864xf32, #tpu.memory_space<hbm>> -> memref<32768xf32, #tpu.memory_space<hbm>>
      %dma_wait3A_25 = tpu.memref_slice %arg4[%add3A_13] : memref<67108864xf32, #tpu.memory_space<hbm>> -> memref<32768xf32, #tpu.memory_space<hbm>>
      tpu.wait_dma2 semaphore(%arg9 : memref<!tpu.dma_semaphore, #tpu.memory_space<semaphore_mem>>) src(%arg7 : memref<32768xf32, #tpu.memory_space<vmem>>) dst(%dma_wait3A_25 : memref<32768xf32, #tpu.memory_space<hbm>>)
    }
    %scan3A_9 = arith.constant 64 : i32
    return
  }
}

</mosaic_0001>

<sc_bundles>
// kernel: _permute.3.cloned.1.call-start
scs
__scs_entry_jumppad:
0x0: {  	(pc) =	sbr.rel $0x88, $3  }
0x1: {  	(tag) =	ssettag $0x0;
	lr =	simm.s32 $0x1  }
0x2: {  	[smem:$0x3F9F] =	sst lr;
	_ =	strace $0xD0000000  }
0x3: {  	_ = 	snop  }
0x4: {  	_ = 	snop  }
0x5: {  	_ = 	snop  }
0x6: {  	_ = 	snop  }
0x7: {  	_ = 	snop  }
__scs_overlays_trampoline_lowered:
0x8: {  	[smem:$0x3FAE] =	sst s0  }
0x9: {  	[smem:$0x3FAF] =	sst s1  }
0xa: {  	[smem:$0x3FB0] =	sst s2  }
0xb: {  	[smem:$0x3FB1] =	sst s3  }
0xc: {  	[smem:$0x3FB2] =	sst s4  }
0xd: {  	[smem:$0x3FB3] =	sst s5  }
0xe: {  	[smem:$0x3FB4] =	sst s6  }
0xf: {  	[smem:$0x3FB5] =	sst s7  }
0x10: {  	[smem:$0x3FB6] =	sst s8  }
0x11: {  	[smem:$0x3FB7] =	sst s9;
	s0 =	simm.s32 @!p0 $0x0  }
0x12: {  	s1 =	sld [smem:$0x3F9D];
	s0 =	simm.s32 @p0 $0x1  }
0x13: {  	[smem:$0x3FB8] =	sst s0;
	s0 =	simm.s32 @!p1 $0x0  }
0x14: {  	s2 =	sld [smem:$0x3F9C];
	s0 =	simm.s32 @p1 $0x1  }
0x15: {  	[smem:$0x3FB9] =	sst s0;
	s0 =	simm.s32 @!p2 $0x0  }
0x16: {  	s3 =	sld [smem:$0x3FDB];
	s0 =	simm.s32 @p2 $0x1  }
0x17: {  	s4 =	simm.s32 $0x1BF5;
	[smem:$0x3FBB] =	sst s0  }
0x18: {  	s0 =	sld [smem:$0x3F9E];
	_ =	swait.ge [sflag:s4], $0x0  }
0x19: {  	s7 =	sld [smem:$0x3F9F]  }
0x1a: {  	s8 =	sadd.s32 $0xFFFFE003, lr  }
0x1b: {  	s9 =	sadd.s32 $0xFFFFFEF7, lr;
	s5 =	simm.s32 $0xFFFFFFFF;
	p2 =	slt.u32 s8, $0xFFFFF086  }
0x1c: {  	p1 =	slt.u32 s9, $0xF7A;
	s5 =	simm.s32 @!p2 $0x0  }
0x1d: {  	s5 =	simm.s32 @p1 $0x1;
	p0 =	seq.s32 s7, s2  }
0x1e: {  	s7 =	smul.u32 @!p0 $0xF7A, s2;
	p2 =	seq.s32 @!p0 s5, $0x0  }
0x1f: {  	s9 =	smul.u32 $0xF7A, s1;
	s8 =	simm.s32 @!p0 $0x1BF5;
	p2 =	por !p2, p0  }
0x20: {  	[sflag:s8] =	ssyncset.s32 @!p0 $0xFFFFF086;
	s6 =	sadd.s32 @!p0 s3, s7;
	s7 =	simm.s32 @!p0 $0x108  }
0x21: {  	s3 =	sadd.s32 s3, s9;
	s6 =	sadd.s32 @!p0 $0x88, s6;
	s7 =	simm.s32 @p2 $0x1082  }
0x22: {  	[simem:s7], [sflag:s8] =	dma.local @!p0 [hbm:s6], $0xF7A  }
0x23: {  	s9 =	sor.u32 $0xD0000000, s2;
	s6 =	simm.s32 $0x108;
	_ =	swait.ge @!p0 [sflag:s8], $0x0  }
0x24: {  	s3 =	sadd.s32 $0x88, s3;
	s6 =	simm.s32 @!p1 $0x1082;
	[sflag:s4] =	ssyncset.s32 $0xFFFFF086  }
0x25: {  	[simem:s6], [sflag:s4] =	dma.local [hbm:s3], $0xF7A  }
0x26: {  	[smem:$0x3F9F] =	sst s1;
	(tag) =	ssettag s2;
	_ =	strace s9  }
0x27: {  	s1 =	sld [smem:$0x3FAF]  }
0x28: {  	s2 =	sld [smem:$0x3FB0]  }
0x29: {  	s4 =	sld [smem:$0x3FB2]  }
0x2a: {  	p0 =	seq.s32 s5, $0x0;
	s5 =	sld [smem:$0x3FB3]  }
0x2b: {  	s6 =	sld [smem:$0x3FB4]  }
0x2c: {  	s7 =	sld [smem:$0x3FB5]  }
0x2d: {  	s3 =	simm.s32 $0x108;
	s8 =	sld [smem:$0x3FB6]  }
0x2e: {  	s3 =	simm.s32 @!p0 $0x1082;
	s9 =	sld [smem:$0x3FB7]  }
0x2f: {  	lr =	sadd.s32 s0, s3;
	s0 =	sld [smem:$0x3FAE]  }
0x30: {  	s3 =	sld [smem:$0x3FB1]  }
0x31: {  	[smem:$0x3FBA] =	sst s10  }
0x32: {  	s10 =	sld [smem:$0x3FB8];
	_ =	sdelay $0x3  }
0x33: {  	p0 =	seq.s32 s10, $0x1;
	s10 =	sld [smem:$0x3FBA];
	_ =	sdelay $0x3  }
0x34: {  	[smem:$0x3FBA] =	sst s10  }
0x35: {  	s10 =	sld [smem:$0x3FB9];
	_ =	sdelay $0x3  }
0x36: {  	p1 =	seq.s32 s10, $0x1;
	s10 =	sld [smem:$0x3FBA];
	_ =	sdelay $0x3  }
0x37: {  	[smem:$0x3FBA] =	sst s10  }
0x38: {  	s10 =	sld [smem:$0x3FBB]  }
0x39: {  	_ = 	snop;
	(pc) =	sbr.ind lr, $3  }
0x3a: {  	_ = 	snop  }
0x3b: {  	_ = 	snop  }
0x3c: {  	p2 =	seq.s32 s10, $0x1;
	s10 =	sld [smem:$0x3FBA]  }
0x3d: {  	_ =	shalt  }
0x3e: {  	_ =	shalt  }
0x3f: {  	_ =	shalt  }
0x40: {  	_ =	shalt  }
0x41: {  	_ =	shalt  }
0x42: {  	_ =	shalt  }
0x43: {  	_ =	shalt  }
0x44: {  	_ =	shalt  }
0x45: {  	_ =	shalt  }
0x46: {  	_ =	shalt  }
0x47: {  	_ =	shalt  }
0x48: {  	_ =	shalt  }
0x49: {  	_ =	shalt  }
0x4a: {  	_ =	shalt  }
0x4b: {  	_ =	shalt  }
0x4c: {  	_ =	shalt  }
0x4d: {  	_ =	shalt  }
0x4e: {  	_ =	shalt  }
0x4f: {  	_ =	shalt  }
0x50: {  	_ =	shalt  }
0x51: {  	_ =	shalt  }
0x52: {  	_ =	shalt  }
0x53: {  	_ =	shalt  }
0x54: {  	_ =	shalt  }
0x55: {  	_ =	shalt  }
0x56: {  	_ =	shalt  }
0x57: {  	_ =	shalt  }
0x58: {  	_ =	shalt  }
0x59: {  	_ =	shalt  }
0x5a: {  	_ =	shalt  }
0x5b: {  	_ =	shalt  }
0x5c: {  	_ =	shalt  }
0x5d: {  	_ =	shalt  }
0x5e: {  	_ =	shalt  }
0x5f: {  	_ =	shalt  }
0x60: {  	_ =	shalt  }
0x61: {  	_ =	shalt  }
0x62: {  	_ =	shalt  }
0x63: {  	_ =	shalt  }
0x64: {  	_ =	shalt  }
0x65: {  	_ =	shalt  }
0x66: {  	_ =	shalt  }
0x67: {  	_ =	shalt  }
0x68: {  	_ =	shalt  }
0x69: {  	_ =	shalt  }
0x6a: {  	_ =	shalt  }
0x6b: {  	_ =	shalt  }
0x6c: {  	_ =	shalt  }
0x6d: {  	_ =	shalt  }
0x6e: {  	_ =	shalt  }
0x6f: {  	_ =	shalt  }
0x70: {  	_ =	shalt  }
0x71: {  	_ =	shalt  }
0x72: {  	_ =	shalt  }
0x73: {  	_ =	shalt  }
0x74: {  	_ =	shalt  }
0x75: {  	_ =	shalt  }
0x76: {  	_ =	shalt  }
0x77: {  	_ =	shalt  }
0x78: {  	_ =	shalt  }
0x79: {  	_ =	shalt  }
0x7a: {  	_ =	shalt  }
0x7b: {  	_ =	shalt  }
0x7c: {  	_ =	shalt  }
0x7d: {  	_ =	shalt  }
0x7e: {  	_ =	shalt  }
0x7f: {  	_ =	shalt  }
0x80: {  	_ =	shalt  }
0x81: {  	_ =	shalt  }
0x82: {  	_ =	shalt  }
0x83: {  	_ =	shalt  }
0x84: {  	_ =	shalt  }
0x85: {  	_ =	shalt  }
0x86: {  	_ =	shalt  }
0x87: {  	_ =	shalt  }
.Lfunc_end0:
.L_simem_size_0:
called_computation_lowered:
.L_overlay_start_0:
0x88: {  	s2 =	sld [smem:$0x3FD9]  }
0x89: {  	s3 =	sld [smem:$0x3FFE];
	_ =	sdelay $0x1  }
0x8a: {  	s1 =	srdreg.scid  }
0x8b: {  	s0 =	sand.u32 $0x1, s1  }
0x8c: {  	s18 =	sshll.u32 s0, $0xA;
	s2 =	sadd.s32 s3, s2  }
0x8d: {  	s2 =	sadd.s32 s2, s18  }
0x8e: {  	[smem:$0x3FC6] =	sst s2  }
0x8f: {  	_ = 	snop  }
0x90: {  	s2 =	sld [smem:$0x3FC9]  }
0x91: {  	s19 =	sld [smem:$0x3FC8]  }
0x92: {  	s4 =	sld [smem:$0x3FD0];
	(tm) =	ssettm $0x1  }
0x93: {  	s5 =	sld [smem:$0x3FFB];
	_ =	sdelay $0x3  }
0x94: {  	_ =	strace s5  }
0x95: {  	s5 =	sld [smem:$0x3FFC];
	_ =	sdelay $0x3  }
0x96: {  	_ =	strace s5  }
0x97: {  	s5 =	sld [smem:$0x3FFD];
	_ =	sdelay $0x3  }
0x98: {  	_ =	strace s5  }
0x99: {  	_ =	strace $0x8FFFFFFF  }
0x9a: {  	s20 =	sld [smem:$0x3FDB];
	_ =	sdelay $0x1  }
0x9b: {  	s6 =	simm.s32 $_scs_section_size  }
0x9c: {  	s7 =	simm.s32 $_size__tile_overlayer_lowered;
	s8 =	simm.s32 $_tile_overlayer_lowered  }
0x9d: {  	s23 =	simm.s32 $0x1BFF;
	s22 =	sshll.u32 s8, $0x1;
	s5 =	sadd.s32 s6, s20  }
0x9e: {  	s9 =	simm.s32 $0x0;
	s21 =	sshll.u32 s7, $0x1;
	s7 =	sadd.s32 s22, s5  }
0x9f: {  	[timem:s9], [sflag:s23] =	dma.local [hbm:s7], s21  }
0xa0: {  	_ =	swait.ge [sflag:s23], s21  }
0xa1: {  	s6 =	ssub.s32 $0x0, s21;
	[sflag:s23] =	ssyncset.done $0x0  }
0xa2: {  	[sflag:s23] =	ssyncadd.s32 s6;
	_ =	sdelay $0x1  }
0xa3: {  	s24 =	simm.s32 $0x1B8B  }
0xa4: {  	_ =	swait.ge [sflag:s24], $0x1  }
0xa5: {  	[sflag:s24] =	ssyncset.done $0x0  }
0xa6: {  	s25 =	simm.s32 $0x1B8E;
	[sflag:s24] =	ssyncadd.s32 $0xFFFFFFFF  }
0xa7: {  	s26 =	simm.s32 $execute0_lowered;
	[smem:$0x3FD2] =	sst s25  }
0xa8: {  	s6 =	sshll.u32 s26, $0x1;
	_ =	strace $0x80000046;
	[dreg:$0x1] =	wrdreg $0xFFFFFFFF  }
0xa9: {  	s28 =	simm.s32 $_size_execute0_lowered;
	s5 =	sadd.s32 s5, s6;
	[dreg:$0x0] =	wrdreg $0x0  }
0xaa: {  	s6 =	sshll.u32 s28, $0x1;
	[dreg:$0x2] =	wrdreg s5  }
0xab: {  	[dreg:$0x3] =	wrdreg s6  }
0xac: {  	[dreg:$0x4] =	wrdreg $0xC0  }
0xad: {  	_ =	task [dreg:s9], $0x5FFFF  }
0xae: {  	[dreg:$0x1] =	wrdreg $0xFFFFFFFF  }
0xaf: {  	[dreg:$0x0] =	wrdreg $0x60  }
0xb0: {  	[dreg:$0x2] =	wrdreg s2  }
0xb1: {  	[dreg:$0x3] =	wrdreg s19  }
0xb2: {  	[dreg:$0x4] =	wrdreg s4  }
0xb3: {  	[dreg:$0x5] =	wrdreg $0x9  }
0xb4: {  	_ =	task.clear_ibuf [dreg:s9], $0x6FFFF;
	_ =	strace $0x90000046  }
0xb5: {  	s29 =	simm.s32 $0x9;
	_ =	strace $0x80000048  }
0xb6: {  	_ =	swait.ge [sflag:s29], $0x1  }
0xb7: {  	[sflag:s29] =	ssyncadd.s32 $0xFFFFFFFF  }
0xb8: {  	_ =	strace $0x90000048  }
0xb9: {  	_ =	sfence  }
0xba: {  	s30 =	sld [smem:$0x0];
	_ =	sdelay $0x2  }
0xbb: {  	s31 =	sshll.u32 s1, $0xD;
	s1 =	sshrl.u32 s1, $0x2  }
0xbc: {  	s3 =	sand.u32 $0x4000, s31;
	s1 =	sadd.s32 s1, s30  }
0xbd: {  	s0 =	sor.u32 s3, s0;
	s1 =	sshll.u32 s1, $0x11  }
0xbe: {  	s0 =	sor.u32 s1, s0  }
0xbf: {  	s0 =	sadd.s32 $0x8F2B, s0  }
0xc0: {  	[sflag:s0] =	ssyncadd.remote.s32 $0x1  }
0xc1: {  	_ =	sfence.sel $0xFFFF  }
0xc2: {  	[dreg:$0x0] =	wrdreg $0xFFFFFFFF;
	(pc) =	sbr.abs _section_cstart, $3  }
0xc3: {  	[dreg:$0x1] =	wrdreg $0xFFFFFFFF  }
0xc4: {  	_ =	task.clear_ibuf [dreg:s9], $0x2FFFF;
	_ =	strace $0x9FFFFFFF  }
0xc5: {  	(tm) =	ssettm $0x7FFFFFFF  }
tec
execute0_lowered:
.L_overlay_start_1:
0x0: {  	(tag) =	ssettag $0x1  }
0x1: {  	s1 =	rddreg [dreg:$0x0]  }
0x2: {  	s2 =	rddreg [dreg:$0x1]  }
0x3: {  	s0 =	srdreg.scid;
	s3 =	rddreg [dreg:$0x2];
	s5 =	simm.s32 $0x0  }
0x4: {  	s4 =	stileid.u32;
	s9 =	simm.s32 $0x800;
	s10 =	simm.s32 $0x1  }
0x5: {  	s11 =	simm.s32 $0x8800;
	s12 =	simm.s32 $0x2;
	s6 =	sand.u32 $0x1, s0  }
0x6: {  	s13 =	simm.s32 $0x0;
	s0 =	rddreg [dreg:$0x3];
	s7 =	ssub.s32 $0x2, s6  }
0x7: {  	[smem:$0x7FF] =	sst s5;
	s31 =	sshll.u32 s4, $0x13;
	s8 =	sshrl.u32 s7, $0x1  }
0x8: {  	s6 =	sshll.u32 s6, $0x12;
	_ =	strace $0x80000047;
	s7 =	ssub.s32 s7, s8  }
0x9: {  	s6 =	sor.u32 s6, s31;
	s8 =	simm.s32 $0x3;
	s7 =	smax.u32 s7, $0x1  }
.LBB2_1:
0xa: {  	[tilespmem:s5], [sflag:$0x3] =	stream.linear.gather [hbm4b:s2+s5], $0x800, $0x38;
	[tilespmem:$0x10800] =	vst v63  }
0xb: {  	_ =	swait.ge [sflag:s8], $0x800  }
0xc: {  	[sflag:s8] =	ssyncset.done $0x0  }
0xd: {  	s14 =	simm.s32 $0x0;
	[sflag:s8] =	ssyncadd.s32 $0xFFFFF800  }
.LBB2_2:
0xe: {  	s15 =	sshll.u32 s14, $0xC  }
0xf: {  	s15 =	sadd.s32 s6, s15  }
0x10: {  	s16 =	simm.s32 $0x0;
	s17 =	sadd.s32 s1, s15  }
0x11: {  	[tilespmem:s9], [sflag:$0x1] =	stream.linear.gather [hbm4b:s17+s16], $0x8000, $0x38;
	[tilespmem:$0x10800] =	vst v63  }
0x12: {  	_ =	swait.ge [sflag:s10], $0x8000  }
0x13: {  	[sflag:s10] =	ssyncset.done $0x0  }
0x14: {  	s17 =	simm.s32 $0x0;
	[sflag:s10] =	ssyncadd.s32 $0xFFFF8000  }
0x15: {  	v0 =	vld [tilespmem:s17+$0x0];
	_ =	sdelay $0x7  }
0x16: {  	v1 =	vld.idx.msk [tilespmem:v0+s9+$0x0], $0xffff  }
0x17: {  	v2 =	vadd.s32 $0x800, v0;
	_ =	sdelay $0x3  }
0x18: {  	[tilespmem:s17+$0x8800] =	vst v1  }
0x19: {  	v1 =	vld.idx.msk [tilespmem:v2+s9+$0x0], $0xffff  }
0x1a: {  	v2 =	vadd.s32 $0x1000, v0;
	_ =	sdelay $0x2  }
0x1b: {  	s18 =	sand.u32 $0x7E0, s16  }
0x1c: {  	[tilespmem:s18+$0x9000] =	vst v1  }
0x1d: {  	v1 =	vld.idx.msk [tilespmem:v2+s9+$0x0], $0xffff  }
0x1e: {  	v2 =	vadd.s32 $0x1800, v0;
	_ =	sdelay $0x3  }
0x1f: {  	[tilespmem:s18+$0x9800] =	vst v1  }
0x20: {  	v1 =	vld.idx.msk [tilespmem:v2+s9+$0x0], $0xffff  }
0x21: {  	v2 =	vadd.s32 $0x2000, v0;
	_ =	sdelay $0x3  }
0x22: {  	[tilespmem:s18+$0xA000] =	vst v1  }
0x23: {  	v1 =	vld.idx.msk [tilespmem:v2+s9+$0x0], $0xffff  }
0x24: {  	v2 =	vadd.s32 $0x2800, v0;
	_ =	sdelay $0x3  }
0x25: {  	[tilespmem:s18+$0xA800] =	vst v1  }
0x26: {  	v1 =	vld.idx.msk [tilespmem:v2+s9+$0x0], $0xffff  }
0x27: {  	v2 =	vadd.s32 $0x3000, v0;
	_ =	sdelay $0x3  }
0x28: {  	[tilespmem:s18+$0xB000] =	vst v1  }
0x29: {  	v1 =	vld.idx.msk [tilespmem:v2+s9+$0x0], $0xffff  }
0x2a: {  	v2 =	vadd.s32 $0x3800, v0;
	_ =	sdelay $0x3  }
0x2b: {  	[tilespmem:s18+$0xB800] =	vst v1  }
0x2c: {  	v1 =	vld.idx.msk [tilespmem:v2+s9+$0x0], $0xffff  }
0x2d: {  	v2 =	vadd.s32 $0x4000, v0;
	_ =	sdelay $0x3  }
0x2e: {  	[tilespmem:s18+$0xC000] =	vst v1  }
0x2f: {  	v1 =	vld.idx.msk [tilespmem:v2+s9+$0x0], $0xffff  }
0x30: {  	v2 =	vadd.s32 $0x4800, v0;
	_ =	sdelay $0x3  }
0x31: {  	[tilespmem:s18+$0xC800] =	vst v1  }
0x32: {  	v1 =	vld.idx.msk [tilespmem:v2+s9+$0x0], $0xffff  }
0x33: {  	v2 =	vadd.s32 $0x5000, v0;
	_ =	sdelay $0x3  }
0x34: {  	[tilespmem:s18+$0xD000] =	vst v1  }
0x35: {  	v1 =	vld.idx.msk [tilespmem:v2+s9+$0x0], $0xffff  }
0x36: {  	v2 =	vadd.s32 $0x5800, v0;
	_ =	sdelay $0x3  }
0x37: {  	[tilespmem:s18+$0xD800] =	vst v1  }
0x38: {  	v1 =	vld.idx.msk [tilespmem:v2+s9+$0x0], $0xffff  }
0x39: {  	v2 =	vadd.s32 $0x6000, v0;
	_ =	sdelay $0x3  }
0x3a: {  	[tilespmem:s18+$0xE000] =	vst v1  }
0x3b: {  	v1 =	vld.idx.msk [tilespmem:v2+s9+$0x0], $0xffff  }
0x3c: {  	v2 =	vadd.s32 $0x6800, v0;
	_ =	sdelay $0x3  }
0x3d: {  	[tilespmem:s18+$0xE800] =	vst v1  }
0x3e: {  	v1 =	vld.idx.msk [tilespmem:v2+s9+$0x0], $0xffff  }
0x3f: {  	v2 =	vadd.s32 $0x7000, v0;
	_ =	sdelay $0x3  }
0x40: {  	[tilespmem:s18+$0xF000] =	vst v1  }
0x41: {  	v1 =	vld.idx.msk [tilespmem:v2+s9+$0x0], $0xffff  }
0x42: {  	v0 =	vadd.s32 $0x7800, v0;
	_ =	sdelay $0x3  }
0x43: {  	[tilespmem:s18+$0xF800] =	vst v1  }
0x44: {  	v0 =	vld.idx.msk [tilespmem:v0+s9+$0x0], $0xffff;
	_ =	sdelay $0x4  }
0x45: {  	[tilespmem:s18+$0x10000] =	vst v0  }
0x46: {  	v0 =	vld [tilespmem:s17+$0x10];
	_ =	sdelay $0x7  }
0x47: {  	v1 =	vld.idx.msk [tilespmem:v0+s9+$0x0], $0xffff  }
0x48: {  	v2 =	vadd.s32 $0x800, v0;
	_ =	sdelay $0x3  }
0x49: {  	[tilespmem:s17+$0x8810] =	vst v1  }
0x4a: {  	v1 =	vld.idx.msk [tilespmem:v2+s9+$0x0], $0xffff  }
0x4b: {  	v2 =	vadd.s32 $0x1000, v0;
	_ =	sdelay $0x3  }
0x4c: {  	[tilespmem:s17+$0x9010] =	vst v1  }
0x4d: {  	v1 =	vld.idx.msk [tilespmem:v2+s9+$0x0], $0xffff  }
0x4e: {  	v2 =	vadd.s32 $0x1800, v0;
	_ =	sdelay $0x3  }
0x4f: {  	[tilespmem:s17+$0x9810] =	vst v1  }
0x50: {  	v1 =	vld.idx.msk [tilespmem:v2+s9+$0x0], $0xffff  }
0x51: {  	v2 =	vadd.s32 $0x2000, v0;
	_ =	sdelay $0x3  }
0x52: {  	[tilespmem:s17+$0xA010] =	vst v1  }
0x53: {  	v1 =	vld.idx.msk [tilespmem:v2+s9+$0x0], $0xffff  }
0x54: {  	v2 =	vadd.s32 $0x2800, v0;
	_ =	sdelay $0x3  }
0x55: {  	[tilespmem:s17+$0xA810] =	vst v1  }
0x56: {  	v1 =	vld.idx.msk [tilespmem:v2+s9+$0x0], $0xffff  }
0x57: {  	v2 =	vadd.s32 $0x3000, v0;
	_ =	sdelay $0x3  }
0x58: {  	[tilespmem:s17+$0xB010] =	vst v1  }
0x59: {  	v1 =	vld.idx.msk [tilespmem:v2+s9+$0x0], $0xffff  }
0x5a: {  	v2 =	vadd.s32 $0x3800, v0;
	_ =	sdelay $0x3  }
0x5b: {  	[tilespmem:s17+$0xB810] =	vst v1  }
0x5c: {  	v1 =	vld.idx.msk [tilespmem:v2+s9+$0x0], $0xffff  }
0x5d: {  	v2 =	vadd.s32 $0x4000, v0;
	_ =	sdelay $0x3  }
0x5e: {  	[tilespmem:s17+$0xC010] =	vst v1  }
0x5f: {  	v1 =	vld.idx.msk [tilespmem:v2+s9+$0x0], $0xffff  }
0x60: {  	v2 =	vadd.s32 $0x4800, v0;
	_ =	sdelay $0x3  }
0x61: {  	[tilespmem:s17+$0xC810] =	vst v1  }
0x62: {  	v1 =	vld.idx.msk [tilespmem:v2+s9+$0x0], $0xffff  }
0x63: {  	v2 =	vadd.s32 $0x5000, v0;
	_ =	sdelay $0x3  }
0x64: {  	[tilespmem:s17+$0xD010] =	vst v1  }
0x65: {  	v1 =	vld.idx.msk [tilespmem:v2+s9+$0x0], $0xffff  }
0x66: {  	v2 =	vadd.s32 $0x5800, v0;
	_ =	sdelay $0x3  }
0x67: {  	[tilespmem:s17+$0xD810] =	vst v1  }
0x68: {  	v1 =	vld.idx.msk [tilespmem:v2+s9+$0x0], $0xffff  }
0x69: {  	v2 =	vadd.s32 $0x6000, v0;
	_ =	sdelay $0x3  }
0x6a: {  	[tilespmem:s17+$0xE010] =	vst v1  }
0x6b: {  	v1 =	vld.idx.msk [tilespmem:v2+s9+$0x0], $0xffff  }
0x6c: {  	v2 =	vadd.s32 $0x6800, v0;
	_ =	sdelay $0x3  }
0x6d: {  	[tilespmem:s17+$0xE810] =	vst v1  }
0x6e: {  	v1 =	vld.idx.msk [tilespmem:v2+s9+$0x0], $0xffff  }
0x6f: {  	v2 =	vadd.s32 $0x7000, v0;
	_ =	sdelay $0x3  }
0x70: {  	[tilespmem:s17+$0xF010] =	vst v1  }
0x71: {  	v1 =	vld.idx.msk [tilespmem:v2+s9+$0x0], $0xffff  }
0x72: {  	v0 =	vadd.s32 $0x7800, v0;
	_ =	sdelay $0x1  }
0x73: {  	s19 =	simm.s32 $0x80;
	s18 =	simm.s32 $0x0  }
.LBB2_3:
0x74: {  	s20 =	sshra.s32 s19, $0x2;
	s18 =	sadd.s32 $0x2, s18  }
0x75: {  	v2 =	vld [tilespmem:s20+$0x0];
	p0 =	slt.u32 s18, $0x7E;
	[tilespmem:s17+$0xF810] =	vst v1  }
0x76: {  	v0 =	vld.idx.msk [tilespmem:v0+s9+$0x0], $0xffff;
	_ =	sdelay $0x3  }
0x77: {  	v3 =	vadd.s32 $0x1000, v2;
	v4 =	vadd.s32 $0x1800, v2;
	v5 =	vadd.s32 $0x2000, v2  }
0x78: {  	v6 =	vadd.s32 $0x2800, v2;
	v7 =	vadd.s32 $0x3000, v2;
	v8 =	vadd.s32 $0x3800, v2  }
0x79: {  	v9 =	vadd.s32 $0x4000, v2;
	v10 =	vadd.s32 $0x4800, v2;
	v11 =	vadd.s32 $0x5000, v2;
	[tilespmem:s17+$0x10010] =	vst v0;
	s17 =	smov.u32 s20  }
0x7a: {  	v13 =	vadd.s32 $0x5800, v2;
	v14 =	vadd.s32 $0x6000, v2;
	v15 =	vadd.s32 $0x6800, v2;
	v12 =	vld.idx.msk [tilespmem:v2+s9+$0x0], $0xffff  }
0x7b: {  	v1 =	vadd.s32 $0x7000, v2;
	v0 =	vadd.s32 $0x7800, v2  }
0x7c: {  	v2 =	vadd.s32 $0x800, v2;
	_ =	sdelay $0x3  }
0x7d: {  	[tilespmem:s17+$0x8800] =	vst v12  }
0x7e: {  	v2 =	vld.idx.msk [tilespmem:v2+s9+$0x0], $0xffff;
	_ =	sdelay $0x3  }
0x7f: {  	s16 =	sadd.s32 $0x20, s16  }
0x80: {  	s20 =	sand.u32 $0x7E0, s16  }
0x81: {  	[tilespmem:s20+$0x9000] =	vst v2  }
0x82: {  	v2 =	vld.idx.msk [tilespmem:v3+s9+$0x0], $0xffff;
	_ =	sdelay $0x5  }
0x83: {  	[tilespmem:s20+$0x9800] =	vst v2  }
0x84: {  	v2 =	vld.idx.msk [tilespmem:v4+s9+$0x0], $0xffff;
	_ =	sdelay $0x5  }
0x85: {  	[tilespmem:s20+$0xA000] =	vst v2  }
0x86: {  	v2 =	vld.idx.msk [tilespmem:v5+s9+$0x0], $0xffff;
	_ =	sdelay $0x5  }
0x87: {  	[tilespmem:s20+$0xA800] =	vst v2  }
0x88: {  	v2 =	vld.idx.msk [tilespmem:v6+s9+$0x0], $0xffff;
	_ =	sdelay $0x5  }
0x89: {  	[tilespmem:s20+$0xB000] =	vst v2  }
0x8a: {  	v2 =	vld.idx.msk [tilespmem:v7+s9+$0x0], $0xffff;
	_ =	sdelay $0x5  }
0x8b: {  	[tilespmem:s20+$0xB800] =	vst v2  }
0x8c: {  	v2 =	vld.idx.msk [tilespmem:v8+s9+$0x0], $0xffff;
	_ =	sdelay $0x5  }
0x8d: {  	[tilespmem:s20+$0xC000] =	vst v2  }
0x8e: {  	v2 =	vld.idx.msk [tilespmem:v9+s9+$0x0], $0xffff;
	_ =	sdelay $0x5  }
0x8f: {  	[tilespmem:s20+$0xC800] =	vst v2  }
0x90: {  	v2 =	vld.idx.msk [tilespmem:v10+s9+$0x0], $0xffff;
	_ =	sdelay $0x5  }
0x91: {  	[tilespmem:s20+$0xD000] =	vst v2  }
0x92: {  	v2 =	vld.idx.msk [tilespmem:v11+s9+$0x0], $0xffff;
	_ =	sdelay $0x5  }
0x93: {  	[tilespmem:s20+$0xD800] =	vst v2  }
0x94: {  	v2 =	vld.idx.msk [tilespmem:v13+s9+$0x0], $0xffff;
	_ =	sdelay $0x5  }
0x95: {  	[tilespmem:s20+$0xE000] =	vst v2  }
0x96: {  	v2 =	vld.idx.msk [tilespmem:v14+s9+$0x0], $0xffff;
	_ =	sdelay $0x5  }
0x97: {  	[tilespmem:s20+$0xE800] =	vst v2  }
0x98: {  	v2 =	vld.idx.msk [tilespmem:v15+s9+$0x0], $0xffff;
	_ =	sdelay $0x5  }
0x99: {  	[tilespmem:s20+$0xF000] =	vst v2  }
0x9a: {  	v1 =	vld.idx.msk [tilespmem:v1+s9+$0x0], $0xffff;
	_ =	sdelay $0x5  }
0x9b: {  	[tilespmem:s20+$0xF800] =	vst v1  }
0x9c: {  	v0 =	vld.idx.msk [tilespmem:v0+s9+$0x0], $0xffff;
	_ =	sdelay $0x5  }
0x9d: {  	[tilespmem:s20+$0x10000] =	vst v0  }
0x9e: {  	v0 =	vld [tilespmem:s17+$0x10];
	_ =	sdelay $0x7  }
0x9f: {  	v1 =	vld.idx.msk [tilespmem:v0+s9+$0x0], $0xffff;
	_ =	sdelay $0x1  }
0xa0: {  	v2 =	vadd.s32 $0x800, v0;
	_ =	sdelay $0x3  }
0xa1: {  	[tilespmem:s17+$0x8810] =	vst v1  }
0xa2: {  	v1 =	vld.idx.msk [tilespmem:v2+s9+$0x0], $0xffff;
	_ =	sdelay $0x1  }
0xa3: {  	v2 =	vadd.s32 $0x1000, v0;
	_ =	sdelay $0x3  }
0xa4: {  	[tilespmem:s17+$0x9010] =	vst v1  }
0xa5: {  	v1 =	vld.idx.msk [tilespmem:v2+s9+$0x0], $0xffff;
	_ =	sdelay $0x1  }
0xa6: {  	v2 =	vadd.s32 $0x1800, v0;
	_ =	sdelay $0x3  }
0xa7: {  	[tilespmem:s17+$0x9810] =	vst v1  }
0xa8: {  	v1 =	vld.idx.msk [tilespmem:v2+s9+$0x0], $0xffff;
	_ =	sdelay $0x1  }
0xa9: {  	v2 =	vadd.s32 $0x2000, v0;
	_ =	sdelay $0x3  }
0xaa: {  	[tilespmem:s17+$0xA010] =	vst v1  }
0xab: {  	v1 =	vld.idx.msk [tilespmem:v2+s9+$0x0], $0xffff;
	_ =	sdelay $0x1  }
0xac: {  	v2 =	vadd.s32 $0x2800, v0;
	_ =	sdelay $0x3  }
0xad: {  	[tilespmem:s17+$0xA810] =	vst v1  }
0xae: {  	v1 =	vld.idx.msk [tilespmem:v2+s9+$0x0], $0xffff;
	_ =	sdelay $0x1  }
0xaf: {  	v2 =	vadd.s32 $0x3000, v0;
	_ =	sdelay $0x3  }
0xb0: {  	[tilespmem:s17+$0xB010] =	vst v1  }
0xb1: {  	v1 =	vld.idx.msk [tilespmem:v2+s9+$0x0], $0xffff;
	_ =	sdelay $0x1  }
0xb2: {  	v2 =	vadd.s32 $0x3800, v0;
	_ =	sdelay $0x3  }
0xb3: {  	[tilespmem:s17+$0xB810] =	vst v1  }
0xb4: {  	v1 =	vld.idx.msk [tilespmem:v2+s9+$0x0], $0xffff;
	_ =	sdelay $0x1  }
0xb5: {  	v2 =	vadd.s32 $0x4000, v0;
	_ =	sdelay $0x3  }
0xb6: {  	[tilespmem:s17+$0xC010] =	vst v1  }
0xb7: {  	v1 =	vld.idx.msk [tilespmem:v2+s9+$0x0], $0xffff;
	_ =	sdelay $0x1  }
0xb8: {  	v2 =	vadd.s32 $0x4800, v0;
	_ =	sdelay $0x3  }
0xb9: {  	[tilespmem:s17+$0xC810] =	vst v1  }
0xba: {  	v1 =	vld.idx.msk [tilespmem:v2+s9+$0x0], $0xffff;
	_ =	sdelay $0x1  }
0xbb: {  	v2 =	vadd.s32 $0x5000, v0;
	_ =	sdelay $0x3  }
0xbc: {  	[tilespmem:s17+$0xD010] =	vst v1  }
0xbd: {  	v1 =	vld.idx.msk [tilespmem:v2+s9+$0x0], $0xffff;
	_ =	sdelay $0x1  }
0xbe: {  	v2 =	vadd.s32 $0x5800, v0;
	_ =	sdelay $0x3  }
0xbf: {  	[tilespmem:s17+$0xD810] =	vst v1  }
0xc0: {  	v1 =	vld.idx.msk [tilespmem:v2+s9+$0x0], $0xffff;
	_ =	sdelay $0x1  }
0xc1: {  	v2 =	vadd.s32 $0x6000, v0;
	_ =	sdelay $0x3  }
0xc2: {  	[tilespmem:s17+$0xE010] =	vst v1  }
0xc3: {  	v1 =	vld.idx.msk [tilespmem:v2+s9+$0x0], $0xffff;
	_ =	sdelay $0x1  }
0xc4: {  	v2 =	vadd.s32 $0x6800, v0;
	_ =	sdelay $0x3  }
0xc5: {  	[tilespmem:s17+$0xE810] =	vst v1  }
0xc6: {  	v1 =	vld.idx.msk [tilespmem:v2+s9+$0x0], $0xffff;
	_ =	sdelay $0x1  }
0xc7: {  	v2 =	vadd.s32 $0x7000, v0;
	_ =	sdelay $0x3  }
0xc8: {  	[tilespmem:s17+$0xF010] =	vst v1  }
.Ltmp0:
0xc9: {  	v1 =	vld.idx.msk [tilespmem:v2+s9+$0x0], $0xffff;
	(pc) =	sbr.rel @p0 .LBB2_3-.Ltmp0, $3  }
0xca: {  	_ = 	snop  }
0xcb: {  	v0 =	vadd.s32 $0x7800, v0;
	_ =	sdelay $0x1  }
0xcc: {  	s19 =	sadd.s32 $0x80, s19  }
0xcd: {  	_ =	sdelay $0x2  }
0xce: {  	[tilespmem:s17+$0xF810] =	vst v1  }
0xcf: {  	v0 =	vld.idx.msk [tilespmem:v0+s9+$0x0], $0xffff;
	_ =	sdelay $0x2  }
0xd0: {  	s14 =	sadd.s32 $0x1, s14  }
0xd1: {  	p0 =	sne.s32 s14, $0x40  }
.Ltmp1:
0xd2: {  	s15 =	sadd.s32 s3, s15;
	[tilespmem:s17+$0x10010] =	vst v0;
	(pc) =	sbr.rel @p0 .LBB2_2-.Ltmp1, $4  }
0xd3: {  	[hbm4b:s15+s5] =	stream.linear.scatter [tilespmem:s11], [sflag:$0x2], $0x8000, $0x38;
	[tilespmem:$0x10800] =	vst v63  }
0xd4: {  	_ =	swait.ge [sflag:s12], $0x8000  }
0xd5: {  	[sflag:s12] =	ssyncset.done $0x0  }
0xd6: {  	[sflag:s12] =	ssyncadd.s32 $0xFFFF8000  }
0xd7: {  	s13 =	sadd.s32 $0x1, s13  }
0xd8: {  	p0 =	sne.s32 s13, s7  }
.Ltmp2:
0xd9: {  	_ = 	snop;
	(pc) =	sbr.rel @p0 .LBB2_1-.Ltmp2, $1  }
0xda: {  	_ =	sdelay $0x3  }
0xdb: {  	_ =	sfence.sel $0x180000  }
0xdc: {  	[bflag:$0x0] =	sbarrier.arrive $0xFFFF  }
0xdd: {  	p0 =	sne.s32 s4, $0x0;
	_ =	strace $0x90000047  }
0xde: {  	s0 =	sadd.s32 @!p0 $0x100000, s0;
	[bflag:$0x2] =	sbarrier.arrive $0xFFFF  }
0xdf: {  	[sflag:s0] =	ssyncadd.tile.s32 @!p0 $0x1;
	_ =	shalt  }
.Lfunc_end2:
_tile_overlayer_lowered:
.L_overlay_start_2:
0xe0: {  	(tag) =	ssettag $0x2  }
0xe1: {  	s0 =	rddreg [dreg:$0x0];
	s2 =	stileid.u32  }
0xe2: {  	s1 =	rddreg [dreg:$0x1];
	p0 =	sne.s32 s2, $0x0  }
0xe3: {  	s3 =	rddreg [dreg:$0x2];
	[bflag:$0x3] =	sbarrier.arrive $0xFFFF;
	s2 =	simm.s32 @!p0 $0x1C03  }
0xe4: {  	[timem:s3], [sflag:s2] =	dma.local @!p0 [hbm:s0], s1  }
0xe5: {  	s0 =	simm.s32 @!p0 $0x3  }
0xe6: {  	_ =	swait.ge @!p0 [sflag:s0], s1  }
0xe7: {  	s1 =	ssub.s32 @!p0 $0x0, s1;
	[sflag:s0] =	ssyncset.done @!p0 $0x0  }
0xe8: {  	[sflag:s0] =	ssyncadd.s32 @!p0 s1  }
0xe9: {  	[bflag:$0x3] =	sbarrier.arrive $0xFFFF  }
0xea: {  	_ =	shalt  }

</sc_bundles>
